<compile_context>
chip_gen: v7x
topology: tpu7x:2x2x1
jax: 0.10.2.dev20260603
libtpu: 0.0.44.dev20260713+nightly
codegen_flags: <defaults>
</compile_context>

<pallas_src>
import jax
import jax.numpy as jnp
from jax import lax
from jax.experimental import pallas as pl
from jax.experimental.pallas import tpu as pltpu
from jax.experimental.pallas import tpu_sc as plsc

_B = 16
_S = 2048
_LANES = 16
_CHUNKS = _S // _LANES
_RATE = 0.7


def _augment_body(m_hbm, out_hbm, row_v):
    wid = lax.axis_index("s")

    pltpu.sync_copy(m_hbm.at[wid], row_v)

    def _count(i, acc):
        return acc + row_v[pl.ds(i * _LANES, _LANES)]
    acc = lax.fori_loop(0, _CHUNKS, _count, jnp.zeros((_LANES,), jnp.int32))
    n_true = acc[0]
    for k in range(1, _LANES):
        n_true = n_true + acc[k]

    length = _S - n_true
    lf = length.astype(jnp.float32) * _RATE
    t = lf.astype(jnp.int32)
    ceil_i = t + (t.astype(jnp.float32) < lf).astype(jnp.int32)
    cutoff = jnp.minimum(ceil_i, _S - 1)

    lane = lax.iota(jnp.int32, _LANES)

    def _write(i, _):
        w = row_v[pl.ds(i * _LANES, _LANES)]
        pos = lane + i * _LANES
        ge = jnp.minimum(jnp.maximum(pos + 1 - cutoff, 0), 1)
        row_v[pl.ds(i * _LANES, _LANES)] = w | ge
        return 0

    lax.fori_loop(0, _CHUNKS, _write, 0)

    pltpu.sync_copy(row_v, out_hbm.at[wid])


_augment = pl.kernel(
    _augment_body,
    out_type=jax.ShapeDtypeStruct((_B, _S), jnp.int32),
    mesh=plsc.VectorSubcoreMesh(
        core_axis_name="c", subcore_axis_name="s", num_cores=1),
    scratch_types=[pltpu.VMEM((_S,), jnp.int32)],
)

_ROWS = _B * _S
_CBS = 2048


def _copy_body(x_ref, o_ref):
    o_ref[...] = x_ref[...]


_xcopy = pl.pallas_call(
    _copy_body,
    grid=(_ROWS // _CBS,),
    in_specs=[pl.BlockSpec((_CBS, 1024), lambda i: (i, 0))],
    out_specs=pl.BlockSpec((_CBS, 1024), lambda i: (i, 0)),
    out_shape=jax.ShapeDtypeStruct((_ROWS, 1024), jnp.float32),
)


def kernel(x, mask):
    out_words = _augment(mask.astype(jnp.int32))
    out_mask = out_words.astype(jnp.bool_)
    out_x = _xcopy(x.reshape(_ROWS, 1024)).reshape(_B, _S, 1024)
    return (out_x, out_mask)

# --- scband reference (transcript-rebuilt; emitter-appended) ---
"""Pipeline reference for scband-subset-sampler-8495445311997 (READ-ONLY COPY).

The authoritative reference and input builder live on the scoring server;
editing this copy changes nothing except your own understanding.
"""

import jax, jax.numpy as jnp
import numpy as np

SUBSET_RATE = 0.7


def setup_inputs(seed: int = 0) -> dict:
    key = jax.random.key(seed)
    k1, k2 = jax.random.split(key)
    x = jax.random.normal(k1, (16, 2048, 1024), dtype=jnp.float32)
    mask = jax.random.randint(k2, (16, 2048), 0, 2).astype(jnp.bool_)
    return {"x": x, "mask": mask}


def _augment_mask(mask, subset_rate):
    # mask: bool [B, S], True = padding. For each record:
    #   length = (~record).sum()  (valid tokens)
    #   record[min(ceil(length*rate), S-1):] = True
    B, S = mask.shape
    lengths = (~mask).sum(axis=1)
    cutoff = jnp.ceil(lengths.astype(jnp.float32) * subset_rate).astype(jnp.int32)
    cutoff = jnp.minimum(cutoff, S - 1)
    pos = jnp.arange(S, dtype=jnp.int32)
    return mask | (pos[None, :] >= cutoff[:, None])


def reference(x, mask):
    # Non-bool tensors pass through unchanged; bool (padding-mask) tensors get
    # their valid length truncated to subset_rate of the original valid length.
    out_x = x
    out_mask = _augment_mask(mask, SUBSET_RATE)
    return (out_x, out_mask)

if __name__ == "__main__":
    import jax
    _d = setup_inputs()
    print(jax.jit(kernel)(*tuple(_d.values())))

</pallas_src>

<mosaic_0001>
#map = affine_map<(d0, d1) -> (0, 0)>
module attributes {stable_mosaic.version = 14 : i64} {
  func.func @_augment_body(%arg0: i32, %arg1: i32, %arg2: memref<16x2048xi32, #tpu.memory_space<hbm>>, %arg3: memref<16x2048xi32, #tpu.memory_space<hbm>>, %arg4: memref<2048xi32, #tpu.memory_space<vmem>>) attributes {dimension_semantics = [#tpu.dimension_semantics<core_parallel>, #tpu.dimension_semantics<subcore_parallel>], iteration_bounds = array<i64: 1, 16>, scalar_prefetch = 0 : i64, scratch_operands = 1 : i64, tpu.core_type = #tpu.core_type<sc_vector_subcore>, window_params = [{transform_indices = #map}, {transform_indices = #map}]} {
    "tpu.region"() ({
      %run_scoped3A = tpu.sem_alloc : memref<!tpu.dma_semaphore, #tpu.memory_space<semaphore_mem>>
      %dma_start3A = arith.constant 0 : i32
      %dma_start3A_64 = tpu.memref_slice %arg2[%arg1, %dma_start3A] : memref<16x2048xi32, #tpu.memory_space<hbm>> -> memref<1x2048xi32, #tpu.memory_space<hbm>>
      %dma_start3A_65 = tpu.memref_squeeze %dma_start3A_64 : memref<1x2048xi32, #tpu.memory_space<hbm>> -> memref<2048xi32, #tpu.memory_space<hbm>>
      %dma_start3A_66 = arith.constant 0 : i32
      %dma_start3A_67 = tpu.memref_slice %arg2[%arg1, %dma_start3A_66] : memref<16x2048xi32, #tpu.memory_space<hbm>> -> memref<1x2048xi32, #tpu.memory_space<hbm>>
      %dma_start3A_68 = tpu.memref_squeeze %dma_start3A_67 : memref<1x2048xi32, #tpu.memory_space<hbm>> -> memref<2048xi32, #tpu.memory_space<hbm>>
      tpu.enqueue_dma source(%dma_start3A_68 : memref<2048xi32, #tpu.memory_space<hbm>>) target(%arg4 : memref<2048xi32, #tpu.memory_space<vmem>>) target_semaphore(%run_scoped3A : memref<!tpu.dma_semaphore, #tpu.memory_space<semaphore_mem>>)
      %dma_wait3A = arith.constant 0 : i32
      %dma_wait3A_69 = tpu.memref_slice %arg2[%arg1, %dma_wait3A] : memref<16x2048xi32, #tpu.memory_space<hbm>> -> memref<1x2048xi32, #tpu.memory_space<hbm>>
      %dma_wait3A_70 = tpu.memref_squeeze %dma_wait3A_69 : memref<1x2048xi32, #tpu.memory_space<hbm>> -> memref<2048xi32, #tpu.memory_space<hbm>>
      %dma_wait3A_71 = arith.constant 0 : i32
      %dma_wait3A_72 = tpu.memref_slice %arg2[%arg1, %dma_wait3A_71] : memref<16x2048xi32, #tpu.memory_space<hbm>> -> memref<1x2048xi32, #tpu.memory_space<hbm>>
      %dma_wait3A_73 = tpu.memref_squeeze %dma_wait3A_72 : memref<1x2048xi32, #tpu.memory_space<hbm>> -> memref<2048xi32, #tpu.memory_space<hbm>>
      tpu.wait_dma2 semaphore(%run_scoped3A : memref<!tpu.dma_semaphore, #tpu.memory_space<semaphore_mem>>) src(%dma_wait3A_73 : memref<2048xi32, #tpu.memory_space<hbm>>) dst(%arg4 : memref<2048xi32, #tpu.memory_space<vmem>>)
      tpu.yield
    }) : () -> ()
    %broadcast_in_dim3A = arith.constant 0 : i32
    %broadcast_in_dim3A_0 = vector.broadcast %broadcast_in_dim3A : i32 to vector<16xi32>
    %scan3A = arith.constant 0 : i32
    %scan3A_1 = arith.constant 128 : i32
    %scan3A_2 = arith.addi %scan3A, %scan3A_1 : i32
    %scan3A_3 = arith.constant 1 : i32
    %scan3A_4 = scf.for %scan3A_64 = %scan3A to %scan3A_2 step %scan3A_3 iter_args(%scan3A_65 = %broadcast_in_dim3A_0) -> (vector<16xi32>)  : i32 {
      %mul3A_66 = arith.constant 16 : i32
      %mul3A_67 = arith.muli %scan3A_64, %mul3A_66 : i32
      %get3A = arith.index_cast %mul3A_67 : i32 to index
      %get3A_68 = tpu.vector_load %arg4[%get3A] {strides = array<i32>} : memref<2048xi32, #tpu.memory_space<vmem>>, vector<16xi32>,
      %get3A_69 = vector.shape_cast %get3A_68 : vector<16xi32> to vector<16xi32>
      %add3A_70 = arith.addi %scan3A_65, %get3A_69 : vector<16xi32>
      scf.yield %add3A_70 : vector<16xi32>
    }
    %scan3A_5 = arith.constant 128 : i32
    %slice3A = vector.extract_strided_slice %scan3A_4 {offsets = [0], sizes = [1], strides = [1]} : vector<16xi32> to vector<1xi32>
    %squeeze3A = vector.extract %slice3A[0] : i32 from vector<1xi32>
    %slice3A_6 = vector.extract_strided_slice %scan3A_4 {offsets = [1], sizes = [1], strides = [1]} : vector<16xi32> to vector<1xi32>
    %squeeze3A_7 = vector.extract %slice3A_6[0] : i32 from vector<1xi32>
    %add3A = arith.addi %squeeze3A, %squeeze3A_7 : i32
    %slice3A_8 = vector.extract_strided_slice %scan3A_4 {offsets = [2], sizes = [1], strides = [1]} : vector<16xi32> to vector<1xi32>
    %squeeze3A_9 = vector.extract %slice3A_8[0] : i32 from vector<1xi32>
    %add3A_10 = arith.addi %add3A, %squeeze3A_9 : i32
    %slice3A_11 = vector.extract_strided_slice %scan3A_4 {offsets = [3], sizes = [1], strides = [1]} : vector<16xi32> to vector<1xi32>
    %squeeze3A_12 = vector.extract %slice3A_11[0] : i32 from vector<1xi32>
    %add3A_13 = arith.addi %add3A_10, %squeeze3A_12 : i32
    %slice3A_14 = vector.extract_strided_slice %scan3A_4 {offsets = [4], sizes = [1], strides = [1]} : vector<16xi32> to vector<1xi32>
    %squeeze3A_15 = vector.extract %slice3A_14[0] : i32 from vector<1xi32>
    %add3A_16 = arith.addi %add3A_13, %squeeze3A_15 : i32
    %slice3A_17 = vector.extract_strided_slice %scan3A_4 {offsets = [5], sizes = [1], strides = [1]} : vector<16xi32> to vector<1xi32>
    %squeeze3A_18 = vector.extract %slice3A_17[0] : i32 from vector<1xi32>
    %add3A_19 = arith.addi %add3A_16, %squeeze3A_18 : i32
    %slice3A_20 = vector.extract_strided_slice %scan3A_4 {offsets = [6], sizes = [1], strides = [1]} : vector<16xi32> to vector<1xi32>
    %squeeze3A_21 = vector.extract %slice3A_20[0] : i32 from vector<1xi32>
    %add3A_22 = arith.addi %add3A_19, %squeeze3A_21 : i32
    %slice3A_23 = vector.extract_strided_slice %scan3A_4 {offsets = [7], sizes = [1], strides = [1]} : vector<16xi32> to vector<1xi32>
    %squeeze3A_24 = vector.extract %slice3A_23[0] : i32 from vector<1xi32>
    %add3A_25 = arith.addi %add3A_22, %squeeze3A_24 : i32
    %slice3A_26 = vector.extract_strided_slice %scan3A_4 {offsets = [8], sizes = [1], strides = [1]} : vector<16xi32> to vector<1xi32>
    %squeeze3A_27 = vector.extract %slice3A_26[0] : i32 from vector<1xi32>
    %add3A_28 = arith.addi %add3A_25, %squeeze3A_27 : i32
    %slice3A_29 = vector.extract_strided_slice %scan3A_4 {offsets = [9], sizes = [1], strides = [1]} : vector<16xi32> to vector<1xi32>
    %squeeze3A_30 = vector.extract %slice3A_29[0] : i32 from vector<1xi32>
    %add3A_31 = arith.addi %add3A_28, %squeeze3A_30 : i32
    %slice3A_32 = vector.extract_strided_slice %scan3A_4 {offsets = [10], sizes = [1], strides = [1]} : vector<16xi32> to vector<1xi32>
    %squeeze3A_33 = vector.extract %slice3A_32[0] : i32 from vector<1xi32>
    %add3A_34 = arith.addi %add3A_31, %squeeze3A_33 : i32
    %slice3A_35 = vector.extract_strided_slice %scan3A_4 {offsets = [11], sizes = [1], strides = [1]} : vector<16xi32> to vector<1xi32>
    %squeeze3A_36 = vector.extract %slice3A_35[0] : i32 from vector<1xi32>
    %add3A_37 = arith.addi %add3A_34, %squeeze3A_36 : i32
    %slice3A_38 = vector.extract_strided_slice %scan3A_4 {offsets = [12], sizes = [1], strides = [1]} : vector<16xi32> to vector<1xi32>
    %squeeze3A_39 = vector.extract %slice3A_38[0] : i32 from vector<1xi32>
    %add3A_40 = arith.addi %add3A_37, %squeeze3A_39 : i32
    %slice3A_41 = vector.extract_strided_slice %scan3A_4 {offsets = [13], sizes = [1], strides = [1]} : vector<16xi32> to vector<1xi32>
    %squeeze3A_42 = vector.extract %slice3A_41[0] : i32 from vector<1xi32>
    %add3A_43 = arith.addi %add3A_40, %squeeze3A_42 : i32
    %slice3A_44 = vector.extract_strided_slice %scan3A_4 {offsets = [14], sizes = [1], strides = [1]} : vector<16xi32> to vector<1xi32>
    %squeeze3A_45 = vector.extract %slice3A_44[0] : i32 from vector<1xi32>
    %add3A_46 = arith.addi %add3A_43, %squeeze3A_45 : i32
    %slice3A_47 = vector.extract_strided_slice %scan3A_4 {offsets = [15], sizes = [1], strides = [1]} : vector<16xi32> to vector<1xi32>
    %squeeze3A_48 = vector.extract %slice3A_47[0] : i32 from vector<1xi32>
    %add3A_49 = arith.addi %add3A_46, %squeeze3A_48 : i32
    %sub3A = arith.constant 2048 : i32
    %sub3A_50 = arith.subi %sub3A, %add3A_49 : i32
    %convert_element_type3A = arith.sitofp %sub3A_50 : i32 to f32
    %mul3A = arith.constant 0.699999988 : f32
    %mul3A_51 = arith.mulf %convert_element_type3A, %mul3A : f32
    %convert_element_type3A_52 = arith.fptosi %mul3A_51 : f32 to i32
    %convert_element_type3A_53 = arith.sitofp %convert_element_type3A_52 : i32 to f32
    %lt3A = arith.cmpf olt, %convert_element_type3A_53, %mul3A_51 : f32
    %convert_element_type3A_54 = arith.extui %lt3A : i1 to i32
    %add3A_55 = arith.addi %convert_element_type3A_52, %convert_element_type3A_54 : i32
    %min3A = arith.constant 2047 : i32
    %min3A_56 = arith.minsi %add3A_55, %min3A : i32
    %iota3A = tpu.iota {dimensions = array<i32: 0>} : vector<16xi32>
    %scan3A_57 = arith.constant 0 : i32
    %scan3A_58 = arith.constant 0 : i32
    %scan3A_59 = arith.constant 128 : i32
    %scan3A_60 = arith.addi %scan3A_58, %scan3A_59 : i32
    %scan3A_61 = arith.constant 1 : i32
    %scan3A_62 = scf.for %scan3A_64 = %scan3A_58 to %scan3A_60 step %scan3A_61 iter_args(%scan3A_65 = %scan3A_57) -> (i32)  : i32 {
      %mul3A_66 = arith.constant 16 : i32
      %mul3A_67 = arith.muli %scan3A_64, %mul3A_66 : i32
      %get3A = arith.index_cast %mul3A_67 : i32 to index
      %get3A_68 = tpu.vector_load %arg4[%get3A] {strides = array<i32>} : memref<2048xi32, #tpu.memory_space<vmem>>, vector<16xi32>,
      %get3A_69 = vector.shape_cast %get3A_68 : vector<16xi32> to vector<16xi32>
      %mul3A_70 = arith.constant 16 : i32
      %mul3A_71 = arith.muli %scan3A_64, %mul3A_70 : i32
      %add3A_72 = vector.broadcast %mul3A_71 : i32 to vector<16xi32>
      %add3A_73 = arith.addi %iota3A, %add3A_72 : vector<16xi32>
      %add3A_74 = arith.constant 1 : i32
      %add3A_75 = vector.broadcast %add3A_74 : i32 to vector<16xi32>
      %add3A_76 = arith.addi %add3A_73, %add3A_75 : vector<16xi32>
      %sub3A_77 = vector.broadcast %min3A_56 : i32 to vector<16xi32>
      %sub3A_78 = arith.subi %add3A_76, %sub3A_77 : vector<16xi32>
      %max3A = arith.constant 0 : i32
      %max3A_79 = vector.broadcast %max3A : i32 to vector<16xi32>
      %max3A_80 = arith.maxsi %sub3A_78, %max3A_79 : vector<16xi32>
      %min3A_81 = arith.constant 1 : i32
      %min3A_82 = vector.broadcast %min3A_81 : i32 to vector<16xi32>
      %min3A_83 = arith.minsi %max3A_80, %min3A_82 : vector<16xi32>
      %or3A = arith.ori %get3A_69, %min3A_83 : vector<16xi32>
      %mul3A_84 = arith.constant 16 : i32
      %mul3A_85 = arith.muli %scan3A_64, %mul3A_84 : i32
      %swap3A = arith.index_cast %mul3A_85 : i32 to index
      %swap3A_86 = tpu.vector_load %arg4[%swap3A] {strides = array<i32>} : memref<2048xi32, #tpu.memory_space<vmem>>, vector<16xi32>,
      %swap3A_87 = vector.shape_cast %swap3A_86 : vector<16xi32> to vector<16xi32>
      %swap3A_88 = vector.shape_cast %or3A : vector<16xi32> to vector<16xi32>
      tpu.vector_store %arg4[%swap3A], %swap3A_88 {strides = array<i32>} : memref<2048xi32, #tpu.memory_space<vmem>>, vector<16xi32>,
      %scan3A_89 = arith.constant 0 : i32
      scf.yield %scan3A_89 : i32
    }
    %scan3A_63 = arith.constant 128 : i32
    "tpu.region"() ({
      %run_scoped3A = tpu.sem_alloc : memref<!tpu.dma_semaphore, #tpu.memory_space<semaphore_mem>>
      %dma_start3A = arith.constant 0 : i32
      %dma_start3A_64 = tpu.memref_slice %arg3[%arg1, %dma_start3A] : memref<16x2048xi32, #tpu.memory_space<hbm>> -> memref<1x2048xi32, #tpu.memory_space<hbm>>
      %dma_start3A_65 = tpu.memref_squeeze %dma_start3A_64 : memref<1x2048xi32, #tpu.memory_space<hbm>> -> memref<2048xi32, #tpu.memory_space<hbm>>
      %dma_start3A_66 = arith.constant 0 : i32
      %dma_start3A_67 = tpu.memref_slice %arg3[%arg1, %dma_start3A_66] : memref<16x2048xi32, #tpu.memory_space<hbm>> -> memref<1x2048xi32, #tpu.memory_space<hbm>>
      %dma_start3A_68 = tpu.memref_squeeze %dma_start3A_67 : memref<1x2048xi32, #tpu.memory_space<hbm>> -> memref<2048xi32, #tpu.memory_space<hbm>>
      tpu.enqueue_dma source(%arg4 : memref<2048xi32, #tpu.memory_space<vmem>>) target(%dma_start3A_68 : memref<2048xi32, #tpu.memory_space<hbm>>) target_semaphore(%run_scoped3A : memref<!tpu.dma_semaphore, #tpu.memory_space<semaphore_mem>>)
      %dma_wait3A = arith.constant 0 : i32
      %dma_wait3A_69 = tpu.memref_slice %arg3[%arg1, %dma_wait3A] : memref<16x2048xi32, #tpu.memory_space<hbm>> -> memref<1x2048xi32, #tpu.memory_space<hbm>>
      %dma_wait3A_70 = tpu.memref_squeeze %dma_wait3A_69 : memref<1x2048xi32, #tpu.memory_space<hbm>> -> memref<2048xi32, #tpu.memory_space<hbm>>
      %dma_wait3A_71 = arith.constant 0 : i32
      %dma_wait3A_72 = tpu.memref_slice %arg3[%arg1, %dma_wait3A_71] : memref<16x2048xi32, #tpu.memory_space<hbm>> -> memref<1x2048xi32, #tpu.memory_space<hbm>>
      %dma_wait3A_73 = tpu.memref_squeeze %dma_wait3A_72 : memref<1x2048xi32, #tpu.memory_space<hbm>> -> memref<2048xi32, #tpu.memory_space<hbm>>
      tpu.wait_dma2 semaphore(%run_scoped3A : memref<!tpu.dma_semaphore, #tpu.memory_space<semaphore_mem>>) src(%arg4 : memref<2048xi32, #tpu.memory_space<vmem>>) dst(%dma_wait3A_73 : memref<2048xi32, #tpu.memory_space<hbm>>)
      tpu.yield
    }) : () -> ()
    return
  }
}

module attributes {stable_mosaic.version = 14 : i64} {
  func.func @_copy_body(%arg0: i32, %arg1: memref<2048x1024xf32, #tpu.memory_space<vmem>>, %arg2: memref<2048x1024xf32, #tpu.memory_space<vmem>>) attributes {dimension_semantics = [#tpu.dimension_semantics<arbitrary>], iteration_bounds = array<i64: 16>, scalar_prefetch = 0 : i64, scratch_operands = 0 : i64, tpu.core_type = #tpu.core_type<tc>, window_params = [{transform_indices = @transform_0, window_bounds = array<i64: 2048, 1024>}, {transform_indices = @transform_1, window_bounds = array<i64: 2048, 1024>}]} {
    %get3A = arith.constant 0 : index
    %get3A_0 = arith.constant 0 : index
    %get3A_1 = vector.load %arg1[%get3A, %get3A_0] : memref<2048x1024xf32, #tpu.memory_space<vmem>>, vector<2048x1024xf32>
    %swap3A = arith.constant 0 : index
    %swap3A_2 = arith.constant 0 : index
    %swap3A_3 = vector.load %arg2[%swap3A, %swap3A_2] : memref<2048x1024xf32, #tpu.memory_space<vmem>>, vector<2048x1024xf32>
    tpu.vector_store %arg2[%swap3A, %swap3A_2], %get3A_1 {strides = array<i32>} : memref<2048x1024xf32, #tpu.memory_space<vmem>>, vector<2048x1024xf32>,
    return
  }
  func.func @transform_0(%arg0: i32) -> (i32, i32) {
    %c0_i32 = arith.constant 0 : i32
    %c0_i32_0 = arith.constant 0 : i32
    return %arg0, %c0_i32 : i32, i32
  }
  func.func @transform_1(%arg0: i32) -> (i32, i32) {
    %c0_i32 = arith.constant 0 : i32
    %c0_i32_0 = arith.constant 0 : i32
    return %arg0, %c0_i32 : i32, i32
  }
}

</mosaic_0001>

<sc_bundles>
// kernel: kernel.4.cloned.1.call-start
scs
__scs_entry_jumppad:
0x0: {  	(pc) =	sbr.rel $0x88, $3  }
0x1: {  	(tag) =	ssettag $0x0;
	lr =	simm.s32 $0x1  }
0x2: {  	[smem:$0x3F9F] =	sst lr;
	_ =	strace $0xD0000000  }
0x3: {  	_ = 	snop  }
0x4: {  	_ = 	snop  }
0x5: {  	_ = 	snop  }
0x6: {  	_ = 	snop  }
0x7: {  	_ = 	snop  }
__scs_overlays_trampoline_lowered:
0x8: {  	[smem:$0x3FAE] =	sst s0  }
0x9: {  	[smem:$0x3FAF] =	sst s1  }
0xa: {  	[smem:$0x3FB0] =	sst s2  }
0xb: {  	[smem:$0x3FB1] =	sst s3  }
0xc: {  	[smem:$0x3FB2] =	sst s4  }
0xd: {  	[smem:$0x3FB3] =	sst s5  }
0xe: {  	[smem:$0x3FB4] =	sst s6  }
0xf: {  	[smem:$0x3FB5] =	sst s7  }
0x10: {  	[smem:$0x3FB6] =	sst s8  }
0x11: {  	[smem:$0x3FB7] =	sst s9;
	s0 =	simm.s32 @!p0 $0x0  }
0x12: {  	s1 =	sld [smem:$0x3F9D];
	s0 =	simm.s32 @p0 $0x1  }
0x13: {  	[smem:$0x3FB8] =	sst s0;
	s0 =	simm.s32 @!p1 $0x0  }
0x14: {  	s2 =	sld [smem:$0x3F9C];
	s0 =	simm.s32 @p1 $0x1  }
0x15: {  	[smem:$0x3FB9] =	sst s0;
	s0 =	simm.s32 @!p2 $0x0  }
0x16: {  	s3 =	sld [smem:$0x3FDB];
	s0 =	simm.s32 @p2 $0x1  }
0x17: {  	s4 =	simm.s32 $0x1BF5;
	[smem:$0x3FBB] =	sst s0  }
0x18: {  	s0 =	sld [smem:$0x3F9E];
	_ =	swait.ge [sflag:s4], $0x0  }
0x19: {  	s7 =	sld [smem:$0x3F9F]  }
0x1a: {  	s8 =	sadd.s32 $0xFFFFE003, lr  }
0x1b: {  	s9 =	sadd.s32 $0xFFFFFEF7, lr;
	s5 =	simm.s32 $0xFFFFFFFF;
	p2 =	slt.u32 s8, $0xFFFFF086  }
0x1c: {  	p1 =	slt.u32 s9, $0xF7A;
	s5 =	simm.s32 @!p2 $0x0  }
0x1d: {  	s5 =	simm.s32 @p1 $0x1;
	p0 =	seq.s32 s7, s2  }
0x1e: {  	s7 =	smul.u32 @!p0 $0xF7A, s2;
	p2 =	seq.s32 @!p0 s5, $0x0  }
0x1f: {  	s9 =	smul.u32 $0xF7A, s1;
	s8 =	simm.s32 @!p0 $0x1BF5;
	p2 =	por !p2, p0  }
0x20: {  	[sflag:s8] =	ssyncset.s32 @!p0 $0xFFFFF086;
	s6 =	sadd.s32 @!p0 s3, s7;
	s7 =	simm.s32 @!p0 $0x108  }
0x21: {  	s3 =	sadd.s32 s3, s9;
	s6 =	sadd.s32 @!p0 $0x88, s6;
	s7 =	simm.s32 @p2 $0x1082  }
0x22: {  	[simem:s7], [sflag:s8] =	dma.local @!p0 [hbm:s6], $0xF7A  }
0x23: {  	s9 =	sor.u32 $0xD0000000, s2;
	s6 =	simm.s32 $0x108;
	_ =	swait.ge @!p0 [sflag:s8], $0x0  }
0x24: {  	s3 =	sadd.s32 $0x88, s3;
	s6 =	simm.s32 @!p1 $0x1082;
	[sflag:s4] =	ssyncset.s32 $0xFFFFF086  }
0x25: {  	[simem:s6], [sflag:s4] =	dma.local [hbm:s3], $0xF7A  }
0x26: {  	[smem:$0x3F9F] =	sst s1;
	(tag) =	ssettag s2;
	_ =	strace s9  }
0x27: {  	s1 =	sld [smem:$0x3FAF]  }
0x28: {  	s2 =	sld [smem:$0x3FB0]  }
0x29: {  	s4 =	sld [smem:$0x3FB2]  }
0x2a: {  	p0 =	seq.s32 s5, $0x0;
	s5 =	sld [smem:$0x3FB3]  }
0x2b: {  	s6 =	sld [smem:$0x3FB4]  }
0x2c: {  	s7 =	sld [smem:$0x3FB5]  }
0x2d: {  	s3 =	simm.s32 $0x108;
	s8 =	sld [smem:$0x3FB6]  }
0x2e: {  	s3 =	simm.s32 @!p0 $0x1082;
	s9 =	sld [smem:$0x3FB7]  }
0x2f: {  	lr =	sadd.s32 s0, s3;
	s0 =	sld [smem:$0x3FAE]  }
0x30: {  	s3 =	sld [smem:$0x3FB1]  }
0x31: {  	[smem:$0x3FBA] =	sst s10  }
0x32: {  	s10 =	sld [smem:$0x3FB8];
	_ =	sdelay $0x3  }
0x33: {  	p0 =	seq.s32 s10, $0x1;
	s10 =	sld [smem:$0x3FBA];
	_ =	sdelay $0x3  }
0x34: {  	[smem:$0x3FBA] =	sst s10  }
0x35: {  	s10 =	sld [smem:$0x3FB9];
	_ =	sdelay $0x3  }
0x36: {  	p1 =	seq.s32 s10, $0x1;
	s10 =	sld [smem:$0x3FBA];
	_ =	sdelay $0x3  }
0x37: {  	[smem:$0x3FBA] =	sst s10  }
0x38: {  	s10 =	sld [smem:$0x3FBB]  }
0x39: {  	_ = 	snop;
	(pc) =	sbr.ind lr, $3  }
0x3a: {  	_ = 	snop  }
0x3b: {  	_ = 	snop  }
0x3c: {  	p2 =	seq.s32 s10, $0x1;
	s10 =	sld [smem:$0x3FBA]  }
0x3d: {  	_ =	shalt  }
0x3e: {  	_ =	shalt  }
0x3f: {  	_ =	shalt  }
0x40: {  	_ =	shalt  }
0x41: {  	_ =	shalt  }
0x42: {  	_ =	shalt  }
0x43: {  	_ =	shalt  }
0x44: {  	_ =	shalt  }
0x45: {  	_ =	shalt  }
0x46: {  	_ =	shalt  }
0x47: {  	_ =	shalt  }
0x48: {  	_ =	shalt  }
0x49: {  	_ =	shalt  }
0x4a: {  	_ =	shalt  }
0x4b: {  	_ =	shalt  }
0x4c: {  	_ =	shalt  }
0x4d: {  	_ =	shalt  }
0x4e: {  	_ =	shalt  }
0x4f: {  	_ =	shalt  }
0x50: {  	_ =	shalt  }
0x51: {  	_ =	shalt  }
0x52: {  	_ =	shalt  }
0x53: {  	_ =	shalt  }
0x54: {  	_ =	shalt  }
0x55: {  	_ =	shalt  }
0x56: {  	_ =	shalt  }
0x57: {  	_ =	shalt  }
0x58: {  	_ =	shalt  }
0x59: {  	_ =	shalt  }
0x5a: {  	_ =	shalt  }
0x5b: {  	_ =	shalt  }
0x5c: {  	_ =	shalt  }
0x5d: {  	_ =	shalt  }
0x5e: {  	_ =	shalt  }
0x5f: {  	_ =	shalt  }
0x60: {  	_ =	shalt  }
0x61: {  	_ =	shalt  }
0x62: {  	_ =	shalt  }
0x63: {  	_ =	shalt  }
0x64: {  	_ =	shalt  }
0x65: {  	_ =	shalt  }
0x66: {  	_ =	shalt  }
0x67: {  	_ =	shalt  }
0x68: {  	_ =	shalt  }
0x69: {  	_ =	shalt  }
0x6a: {  	_ =	shalt  }
0x6b: {  	_ =	shalt  }
0x6c: {  	_ =	shalt  }
0x6d: {  	_ =	shalt  }
0x6e: {  	_ =	shalt  }
0x6f: {  	_ =	shalt  }
0x70: {  	_ =	shalt  }
0x71: {  	_ =	shalt  }
0x72: {  	_ =	shalt  }
0x73: {  	_ =	shalt  }
0x74: {  	_ =	shalt  }
0x75: {  	_ =	shalt  }
0x76: {  	_ =	shalt  }
0x77: {  	_ =	shalt  }
0x78: {  	_ =	shalt  }
0x79: {  	_ =	shalt  }
0x7a: {  	_ =	shalt  }
0x7b: {  	_ =	shalt  }
0x7c: {  	_ =	shalt  }
0x7d: {  	_ =	shalt  }
0x7e: {  	_ =	shalt  }
0x7f: {  	_ =	shalt  }
0x80: {  	_ =	shalt  }
0x81: {  	_ =	shalt  }
0x82: {  	_ =	shalt  }
0x83: {  	_ =	shalt  }
0x84: {  	_ =	shalt  }
0x85: {  	_ =	shalt  }
0x86: {  	_ =	shalt  }
0x87: {  	_ =	shalt  }
.Lfunc_end0:
.L_simem_size_0:
called_computation_lowered:
.L_overlay_start_0:
0x88: {  	s0 =	sld [smem:$0x3FD9]  }
0x89: {  	s1 =	sld [smem:$0x3FFE];
	_ =	sdelay $0x3  }
0x8a: {  	s0 =	sadd.s32 s1, s0  }
0x8b: {  	[smem:$0x3FC6] =	sst s0  }
0x8c: {  	_ = 	snop  }
0x8d: {  	(tm) =	ssettm $0x1  }
0x8e: {  	s15 =	sld [smem:$0x3FFB];
	_ =	sdelay $0x3  }
0x8f: {  	_ =	strace s15  }
0x90: {  	s0 =	sld [smem:$0x3FFC];
	_ =	sdelay $0x3  }
0x91: {  	_ =	strace s0  }
0x92: {  	s0 =	sld [smem:$0x3FFD];
	_ =	sdelay $0x3  }
0x93: {  	_ =	strace s0  }
0x94: {  	_ =	strace $0x8FFFFFFF  }
0x95: {  	s16 =	sld [smem:$0x3FDB];
	_ =	sdelay $0x1  }
0x96: {  	s17 =	simm.s32 $_scs_section_size  }
0x97: {  	s2 =	simm.s32 $_size__tile_overlayer_lowered;
	s3 =	simm.s32 $_tile_overlayer_lowered  }
0x98: {  	s20 =	simm.s32 $0x1BFF;
	s19 =	sshll.u32 s3, $0x1;
	s0 =	sadd.s32 s17, s16  }
0x99: {  	s4 =	simm.s32 $0x0;
	s18 =	sshll.u32 s2, $0x1;
	s2 =	sadd.s32 s19, s0  }
0x9a: {  	[timem:s4], [sflag:s20] =	dma.local [hbm:s2], s18  }
0x9b: {  	_ =	swait.ge [sflag:s20], s18  }
0x9c: {  	s1 =	ssub.s32 $0x0, s18;
	[sflag:s20] =	ssyncset.done $0x0  }
0x9d: {  	[sflag:s20] =	ssyncadd.s32 s1;
	_ =	sdelay $0x1  }
0x9e: {  	s21 =	simm.s32 $0x1B8B  }
0x9f: {  	_ =	swait.ge [sflag:s21], $0x1  }
0xa0: {  	[sflag:s21] =	ssyncset.done $0x0  }
0xa1: {  	s23 =	simm.s32 $0x1B8E;
	s22 =	sld [smem:$0x3FFE];
	[sflag:s21] =	ssyncadd.s32 $0xFFFFFFFF  }
0xa2: {  	s24 =	simm.s32 $execute0_lowered;
	[smem:$0x3FD2] =	sst s23  }
0xa3: {  	s2 =	sshll.u32 s24, $0x1;
	_ =	strace $0x80000046;
	[dreg:$0x1] =	wrdreg $0xFFFFFFFF  }
0xa4: {  	s25 =	simm.s32 $_size_execute0_lowered;
	s0 =	sadd.s32 s0, s2;
	[dreg:$0x0] =	wrdreg $0x0  }
0xa5: {  	s2 =	sshll.u32 s25, $0x1;
	[dreg:$0x2] =	wrdreg s0  }
0xa6: {  	[dreg:$0x3] =	wrdreg s2  }
0xa7: {  	[dreg:$0x4] =	wrdreg $0xC0  }
0xa8: {  	_ =	task [dreg:s4], $0x5FFFF  }
0xa9: {  	[dreg:$0x1] =	wrdreg $0xFFFFFFFF  }
0xaa: {  	[dreg:$0x0] =	wrdreg $0x60  }
0xab: {  	[dreg:$0x2] =	wrdreg s22  }
0xac: {  	[dreg:$0x3] =	wrdreg $0x9  }
0xad: {  	_ =	task.clear_ibuf [dreg:s4], $0x4FFFF;
	_ =	strace $0x90000046  }
0xae: {  	s26 =	simm.s32 $0x9;
	_ =	strace $0x80000048  }
0xaf: {  	_ =	swait.ge [sflag:s26], $0x1  }
0xb0: {  	[sflag:s26] =	ssyncadd.s32 $0xFFFFFFFF  }
0xb1: {  	_ =	strace $0x90000048  }
0xb2: {  	_ =	sfence  }
0xb3: {  	s28 =	sld [smem:$0x0];
	_ =	sdelay $0x1  }
0xb4: {  	s29 =	srdreg.scid  }
0xb5: {  	s30 =	sshll.u32 s29, $0xD;
	s31 =	sshrl.u32 s29, $0x2  }
0xb6: {  	s1 =	sand.u32 $0x1, s29;
	s2 =	sand.u32 $0x4000, s30;
	s0 =	sadd.s32 s31, s28  }
0xb7: {  	s1 =	sor.u32 s2, s1;
	s0 =	sshll.u32 s0, $0x11  }
0xb8: {  	s0 =	sor.u32 s0, s1  }
0xb9: {  	s0 =	sadd.s32 $0x8F2B, s0  }
0xba: {  	[sflag:s0] =	ssyncadd.remote.s32 $0x1  }
0xbb: {  	_ =	sfence.sel $0xFFFF  }
0xbc: {  	[dreg:$0x0] =	wrdreg $0xFFFFFFFF;
	(pc) =	sbr.abs _section_cstart, $3  }
0xbd: {  	[dreg:$0x1] =	wrdreg $0xFFFFFFFF  }
0xbe: {  	_ =	task.clear_ibuf [dreg:s4], $0x2FFFF;
	_ =	strace $0x9FFFFFFF  }
0xbf: {  	(tm) =	ssettm $0x7FFFFFFF  }
tec
execute0_lowered:
.L_overlay_start_1:
0x0: {  	(tag) =	ssettag $0x1  }
0x1: {  	s0 =	stileid.u32  }
0x2: {  	s3 =	rddreg [dreg:$0x0];
	s2 =	sshll.u32 s0, $0x8;
	s4 =	sshll.u32 s0, $0x4  }
0x3: {  	s1 =	rddreg [dreg:$0x1];
	s2 =	sor.u32 s4, s2  }
0x4: {  	s5 =	simm.s32 $0x0;
	s6 =	simm.s32 $0x80;
	s2 =	sand.u32 $0x870, s2  }
0x5: {  	s7 =	simm.s32 $0x400;
	[smem:$0x7FF] =	sst s5;
	s29 =	sadd.s32 s2, s3  }
0x6: {  	s30 =	simm.s32 $0x1;
	_ =	strace $0x80000047;
	s4 =	sadd.s32 $0x400, s29  }
0x7: {  	[tilespmem:s5], [sflag:$0x1] =	stream.strided.gather [hbm4b:s4+s6], $0x800, s7, s6, $0x38;
	[tilespmem:$0x800] =	vst v63  }
0x8: {  	_ =	swait.ge [sflag:s30], $0x800  }
0x9: {  	[sflag:s30] =	ssyncset.done $0x0  }
0xa: {  	s31 =	simm.s32 $0x0;
	[sflag:s30] =	ssyncadd.s32 $0xFFFFF800  }
0xb: {  	v0 =	vimm.s32 $0x0;
	s3 =	sadd.s32 $0x1400, s3;
	s4 =	simm.s32 $0x40;
	v1 =	vld [tilespmem:s31+$0x0]  }
.LBB2_1:
0xc: {  	p0 =	sne.s32 s4, $0x1FC0  }
.Ltmp0:
0xd: {  	_ = 	snop;
	(pc) =	sbr.rel @p0 .LBB2_1-.Ltmp0, $3  }
0xe: {  	_ =	sdelay $0x1  }
0xf: {  	s5 =	sshra.s32 s4, $0x2;
	s4 =	sadd.s32 $0x40, s4;
	v0 =	vadd.s32 v0, v1  }
0x10: {  	v1 =	vld [tilespmem:s5+$0x0]  }
0x11: {  	_ =	sdelay $0x3  }
0x12: {  	v0 =	vadd.s32 v0, v1  }
0x13: {  	(v2sf) =	vpush v0, $0x0  }
0x14: {  	(v2sf) =	vpush v0, $0x1  }
0x15: {  	(v2sf) =	vpush v0, $0x2  }
0x16: {  	(v2sf) =	vpush v0, $0x3  }
0x17: {  	(v2sf) =	vpush v0, $0x4  }
0x18: {  	(v2sf) =	vpush v0, $0x5  }
0x19: {  	(v2sf) =	vpush v0, $0x6  }
0x1a: {  	(v2sf) =	vpush v0, $0x7  }
0x1b: {  	(v2sf) =	vpush v0, $0x8  }
0x1c: {  	(v2sf) =	vpush v0, $0x9  }
0x1d: {  	(v2sf) =	vpush v0, $0xA  }
0x1e: {  	(v2sf) =	vpush v0, $0xB  }
0x1f: {  	(v2sf) =	vpush v0, $0xC  }
0x20: {  	(v2sf) =	vpush v0, $0xD  }
0x21: {  	(v2sf) =	vpush v0, $0xE  }
0x22: {  	s4 =	spop (v2sf);
	(v2sf) =	vpush v0, $0xF  }
0x23: {  	s5 =	spop (v2sf)  }
0x24: {  	s6 =	spop (v2sf);
	s4 =	sadd.s32 s4, s5  }
0x25: {  	s16 =	spop (v2sf);
	s4 =	sadd.s32 s6, s4  }
0x26: {  	s17 =	spop (v2sf);
	s4 =	sadd.s32 s16, s4  }
0x27: {  	s18 =	spop (v2sf);
	s4 =	sadd.s32 s17, s4  }
0x28: {  	s19 =	spop (v2sf);
	s4 =	sadd.s32 s18, s4  }
0x29: {  	s20 =	spop (v2sf);
	s4 =	sadd.s32 s19, s4  }
0x2a: {  	s21 =	spop (v2sf);
	s4 =	sadd.s32 s20, s4  }
0x2b: {  	s22 =	spop (v2sf);
	s4 =	sadd.s32 s21, s4  }
0x2c: {  	s23 =	spop (v2sf);
	s4 =	sadd.s32 s22, s4  }
0x2d: {  	s24 =	spop (v2sf);
	s4 =	sadd.s32 s23, s4  }
0x2e: {  	s25 =	spop (v2sf);
	s4 =	sadd.s32 s24, s4  }
0x2f: {  	s26 =	spop (v2sf);
	s4 =	sadd.s32 s25, s4  }
0x30: {  	s28 =	spop (v2sf);
	s4 =	sadd.s32 s26, s4  }
0x31: {  	s29 =	spop (v2sf);
	s4 =	sadd.s32 s28, s4  }
0x32: {  	s4 =	sadd.s32 s29, s4  }
0x33: {  	s4 =	ssub.s32 $0x800, s4  }
0x34: {  	s4 =	scvt.s32.f32 s4;
	_ =	sdelay $0x1  }
0x35: {  	s4 =	smul.f32 $6.999999880e-01, s4;
	_ =	sdelay $0x1  }
0x36: {  	s30 =	scvt.f32.s32 s4;
	_ =	sdelay $0x1  }
0x37: {  	s31 =	scvt.s32.f32 s30;
	_ =	sdelay $0x1  }
0x38: {  	p0 =	sgt.f32 s4, s31  }
0x39: {  	s4 =	simm.s32 $0x1  }
0x3a: {  	s4 =	simm.s32 @!p0 $0x0  }
0x3b: {  	s4 =	sadd.s32 s30, s4  }
0x3c: {  	v0 =	vlaneseq.u32;
	s5 =	simm.s32 $0x0;
	p0 =	slt.s32 s4, $0x7FF  }
0x3d: {  	s7 =	simm.s32 $0x10;
	v1 =	vadd.s32 $0x1, v0;
	v0 =	vimm.s32 $0x0;
	v2 =	vld [tilespmem:s5+$0x0];
	s6 =	simm.s32 $0x0;
	s4 =	simm.s32 @!p0 $0x7FF  }
.LBB2_3:
0x3e: {  	p0 =	sne.s32 s7, $0x7F0;
	s8 =	ssub.s32 s5, s4;
	s5 =	smov.u32 s7  }
0x3f: {  	v3 =	vadd.s32 s8, v1  }
.Ltmp1:
0x40: {  	vm0 =	vgt.s32 v3, $0x0;
	(pc) =	sbr.rel @p0 .LBB2_3-.Ltmp1, $4  }
0x41: {  	v3 =	vsel vm0, $0x1, v0  }
0x42: {  	v2 =	vor.u32 v3, v2  }
0x43: {  	[tilespmem:s6+$0x0] =	vst v2;
	s6 =	sadd.s32 $0x10, s6  }
0x44: {  	s7 =	sadd.s32 $0x10, s7;
	v2 =	vld [tilespmem:s6+$0x0]  }
0x45: {  	s4 =	ssub.s32 s5, s4  }
0x46: {  	v1 =	vadd.s32 s4, v1  }
0x47: {  	vm0 =	vgt.s32 v1, $0x0  }
0x48: {  	v0 =	vsel vm0, $0x1, v0  }
0x49: {  	s2 =	sadd.s32 s3, s2;
	s28 =	simm.s32 $0x80;
	v0 =	vor.u32 v0, v2  }
0x4a: {  	s29 =	simm.s32 $0x400;
	s30 =	simm.s32 $0x0;
	s31 =	simm.s32 $0x1;
	[tilespmem:s6+$0x0] =	vst v0  }
0x4b: {  	[hbm4b:s2+s28] =	stream.strided.scatter [tilespmem:s30], [sflag:$0x1], $0x800, s29, s28, $0x38;
	[tilespmem:$0x800] =	vst v63  }
0x4c: {  	_ =	swait.ge [sflag:s31], $0x800  }
0x4d: {  	[sflag:s31] =	ssyncset.done $0x0  }
0x4e: {  	[sflag:s31] =	ssyncadd.s32 $0xFFFFF800  }
0x4f: {  	_ =	sfence.sel $0x180000  }
0x50: {  	[bflag:$0x0] =	sbarrier.arrive $0xFFFF  }
0x51: {  	p0 =	sne.s32 s0, $0x0;
	_ =	strace $0x90000047  }
0x52: {  	s0 =	sadd.s32 @!p0 $0x100000, s1;
	[bflag:$0x2] =	sbarrier.arrive $0xFFFF  }
0x53: {  	[sflag:s0] =	ssyncadd.tile.s32 @!p0 $0x1;
	_ =	shalt  }
.Lfunc_end2:
_tile_overlayer_lowered:
.L_overlay_start_2:
0x54: {  	(tag) =	ssettag $0x2  }
0x55: {  	s0 =	rddreg [dreg:$0x0];
	s2 =	stileid.u32  }
0x56: {  	s1 =	rddreg [dreg:$0x1];
	p0 =	sne.s32 s2, $0x0  }
0x57: {  	s3 =	rddreg [dreg:$0x2];
	[bflag:$0x3] =	sbarrier.arrive $0xFFFF;
	s2 =	simm.s32 @!p0 $0x1C01  }
0x58: {  	[timem:s3], [sflag:s2] =	dma.local @!p0 [hbm:s0], s1  }
0x59: {  	s0 =	simm.s32 @!p0 $0x1  }
0x5a: {  	_ =	swait.ge @!p0 [sflag:s0], s1  }
0x5b: {  	s1 =	ssub.s32 @!p0 $0x0, s1;
	[sflag:s0] =	ssyncset.done @!p0 $0x0  }
0x5c: {  	[sflag:s0] =	ssyncadd.s32 @!p0 s1  }
0x5d: {  	[bflag:$0x3] =	sbarrier.arrive $0xFFFF  }
0x5e: {  	_ =	shalt  }

</sc_bundles>
